<compile_context>
chip_gen: v7x
topology: tpu7x:2x2x1
jax: 0.10.2.dev20260603
libtpu: 0.0.44.dev20260713+nightly
codegen_flags: <defaults>
</compile_context>

<pallas_src>
import functools

import jax
import jax.numpy as jnp
from jax import lax
from jax.experimental import pallas as pl
from jax.experimental.pallas import tpu as pltpu
from jax.experimental.pallas import tpu_sc as plsc

D = 32
B = 4096
H = 50
BH = B * H
NC = 2
NS = 16
NW = NC * NS
NPW = BH // NW
C = 128
NCHUNK = NPW // C

_mesh = plsc.VectorSubcoreMesh(core_axis_name="c", subcore_axis_name="s")


@functools.partial(
    pl.kernel,
    out_type=(
        jax.ShapeDtypeStruct((BH, D), jnp.float32),
        jax.ShapeDtypeStruct((BH, D), jnp.float32),
    ),
    mesh=_mesh,
    compiler_params=pltpu.CompilerParams(use_tc_tiling_on_sc=False),
    scratch_types=[
        pltpu.VMEM((NCHUNK, C), jnp.int32),
        pltpu.VMEM((2, C, D), jnp.float32),
        pltpu.VMEM((2, C, D), jnp.float32),
        pltpu.SemaphoreType.DMA,
        pltpu.SemaphoreType.DMA,
        pltpu.SemaphoreType.DMA,
        pltpu.SemaphoreType.DMA,
    ],
)
def _gather2(x_hbm, real_hbm, imag_hbm, real_out, imag_out,
             idx_v, rbuf, ibuf, sr0, sr1, si0, si1):
    wid = lax.axis_index("s") * NC + lax.axis_index("c")
    base = wid * NPW
    pltpu.sync_copy(x_hbm.at[wid], idx_v)

    sems_r = (sr0, sr1)
    sems_i = (si0, si1)

    def start(g, b):
        idx = idx_v.at[g]
        pltpu.async_copy(real_hbm.at[idx], rbuf.at[b], sems_r[b])
        pltpu.async_copy(imag_hbm.at[idx], ibuf.at[b], sems_i[b])

    def finish(g, b):
        idx = idx_v.at[g]
        pltpu.make_async_copy(real_hbm.at[idx], rbuf.at[b], sems_r[b]).wait()
        pltpu.sync_copy(rbuf.at[b], real_out.at[pl.ds(base + g * C, C)])
        pltpu.make_async_copy(imag_hbm.at[idx], ibuf.at[b], sems_i[b]).wait()
        pltpu.sync_copy(ibuf.at[b], imag_out.at[pl.ds(base + g * C, C)])

    start(0, 0)

    def body(jj, carry):
        g0 = 2 * jj
        g1 = g0 + 1
        start(g1, 1)
        finish(g0, 0)

        @pl.when(g0 + 2 < NCHUNK)
        def _():
            start(g0 + 2, 0)

        finish(g1, 1)
        return carry

    lax.fori_loop(0, NCHUNK // 2, body, 0)


def kernel(x, real_table, imag_table):
    xw = x.reshape(NW, NCHUNK, C)
    r, i = _gather2(xw, real_table, imag_table)
    z = lax.complex(r, i)
    return z.reshape(B, H, D)

# --- scband reference (transcript-rebuilt; emitter-appended) ---
"""Pipeline reference for scband-complex-embedding-38027640438962 (READ-ONLY COPY).

The authoritative reference and input builder live on the scoring server;
editing this copy changes nothing except your own understanding.
"""

import jax, jax.numpy as jnp
import numpy as np

NUM_EMBEDDINGS = 1000000
EMBEDDING_DIM = 32
BATCH = 4096
HIST = 50

def setup_inputs(seed: int = 0) -> dict:
    key = jax.random.key(seed)
    k1, k2, k3 = jax.random.split(key, 3)
    x = jax.random.randint(k1, (BATCH, HIST), 0, NUM_EMBEDDINGS, dtype=jnp.int64) if jax.config.jax_enable_x64 else jax.random.randint(k1, (BATCH, HIST), 0, NUM_EMBEDDINGS, dtype=jnp.int32)
    real_table = jax.random.normal(k2, (NUM_EMBEDDINGS, EMBEDDING_DIM), dtype=jnp.float32) * 0.02
    imag_table = jax.random.normal(k3, (NUM_EMBEDDINGS, EMBEDDING_DIM), dtype=jnp.float32) * 0.01
    return {"x": x, "real_table": real_table, "imag_table": imag_table}

def reference(x, real_table, imag_table):
    # ComplexEmbedding.forward: torch.complex(self.real(x), self.imag(x))
    real_part = jnp.take(real_table, x, axis=0)
    imag_part = jnp.take(imag_table, x, axis=0)
    return jax.lax.complex(real_part, imag_part)

if __name__ == "__main__":
    import jax
    _d = setup_inputs()
    print(jax.jit(kernel)(*tuple(_d.values())))

</pallas_src>

<mosaic_0001>
#map = affine_map<(d0, d1) -> (0, 0, 0)>
#map1 = affine_map<(d0, d1) -> (0, 0)>
module attributes {stable_mosaic.version = 14 : i64} {
  func.func @_gather2(%arg0: i32, %arg1: i32, %arg2: memref<32x50x128xi32, #tpu.memory_space<hbm>>, %arg3: memref<1000000x32xf32, #tpu.memory_space<hbm>>, %arg4: memref<1000000x32xf32, #tpu.memory_space<hbm>>, %arg5: memref<204800x32xf32, #tpu.memory_space<hbm>>, %arg6: memref<204800x32xf32, #tpu.memory_space<hbm>>, %arg7: memref<50x128xi32, #tpu.memory_space<vmem>>, %arg8: memref<2x128x32xf32, #tpu.memory_space<vmem>>, %arg9: memref<2x128x32xf32, #tpu.memory_space<vmem>>, %arg10: memref<!tpu.dma_semaphore, #tpu.memory_space<semaphore_mem>>, %arg11: memref<!tpu.dma_semaphore, #tpu.memory_space<semaphore_mem>>, %arg12: memref<!tpu.dma_semaphore, #tpu.memory_space<semaphore_mem>>, %arg13: memref<!tpu.dma_semaphore, #tpu.memory_space<semaphore_mem>>) attributes {dimension_semantics = [#tpu.dimension_semantics<core_parallel>, #tpu.dimension_semantics<subcore_parallel>], iteration_bounds = array<i64: 2, 16>, scalar_prefetch = 0 : i64, scratch_operands = 7 : i64, tpu.core_type = #tpu.core_type<sc_vector_subcore>, window_params = [{transform_indices = #map}, {transform_indices = #map1}, {transform_indices = #map1}, {transform_indices = #map1}, {transform_indices = #map1}]} {
    %mul3A = arith.constant 2 : i32
    %mul3A_0 = arith.muli %arg1, %mul3A : i32
    %add3A = arith.addi %mul3A_0, %arg0 : i32
    %mul3A_1 = arith.constant 6400 : i32
    %mul3A_2 = arith.muli %add3A, %mul3A_1 : i32
    "tpu.region"() ({
      %run_scoped3A = tpu.sem_alloc : memref<!tpu.dma_semaphore, #tpu.memory_space<semaphore_mem>>
      %dma_start3A_31 = arith.constant 0 : i32
      %dma_start3A_32 = arith.constant 0 : i32
      %dma_start3A_33 = tpu.memref_slice %arg2[%add3A, %dma_start3A_31, %dma_start3A_32] : memref<32x50x128xi32, #tpu.memory_space<hbm>> -> memref<1x50x128xi32, #tpu.memory_space<hbm>>
      %dma_start3A_34 = tpu.memref_squeeze %dma_start3A_33 : memref<1x50x128xi32, #tpu.memory_space<hbm>> -> memref<50x128xi32, #tpu.memory_space<hbm>>
      %dma_start3A_35 = arith.constant 0 : i32
      %dma_start3A_36 = arith.constant 0 : i32
      %dma_start3A_37 = tpu.memref_slice %arg2[%add3A, %dma_start3A_35, %dma_start3A_36] : memref<32x50x128xi32, #tpu.memory_space<hbm>> -> memref<1x50x128xi32, #tpu.memory_space<hbm>>
      %dma_start3A_38 = tpu.memref_squeeze %dma_start3A_37 : memref<1x50x128xi32, #tpu.memory_space<hbm>> -> memref<50x128xi32, #tpu.memory_space<hbm>>
      tpu.enqueue_dma source(%dma_start3A_38 : memref<50x128xi32, #tpu.memory_space<hbm>>) target(%arg7 : memref<50x128xi32, #tpu.memory_space<vmem>>) target_semaphore(%run_scoped3A : memref<!tpu.dma_semaphore, #tpu.memory_space<semaphore_mem>>)
      %dma_wait3A = arith.constant 0 : i32
      %dma_wait3A_39 = arith.constant 0 : i32
      %dma_wait3A_40 = tpu.memref_slice %arg2[%add3A, %dma_wait3A, %dma_wait3A_39] : memref<32x50x128xi32, #tpu.memory_space<hbm>> -> memref<1x50x128xi32, #tpu.memory_space<hbm>>
      %dma_wait3A_41 = tpu.memref_squeeze %dma_wait3A_40 : memref<1x50x128xi32, #tpu.memory_space<hbm>> -> memref<50x128xi32, #tpu.memory_space<hbm>>
      %dma_wait3A_42 = arith.constant 0 : i32
      %dma_wait3A_43 = arith.constant 0 : i32
      %dma_wait3A_44 = tpu.memref_slice %arg2[%add3A, %dma_wait3A_42, %dma_wait3A_43] : memref<32x50x128xi32, #tpu.memory_space<hbm>> -> memref<1x50x128xi32, #tpu.memory_space<hbm>>
      %dma_wait3A_45 = tpu.memref_squeeze %dma_wait3A_44 : memref<1x50x128xi32, #tpu.memory_space<hbm>> -> memref<50x128xi32, #tpu.memory_space<hbm>>
      tpu.wait_dma2 semaphore(%run_scoped3A : memref<!tpu.dma_semaphore, #tpu.memory_space<semaphore_mem>>) src(%dma_wait3A_45 : memref<50x128xi32, #tpu.memory_space<hbm>>) dst(%arg7 : memref<50x128xi32, #tpu.memory_space<vmem>>)
      tpu.yield
    }) : () -> ()
    %dma_start3A = arith.constant 0 : i32
    %dma_start3A_3 = arith.constant 0 : i32
    %dma_start3A_4 = arith.constant 0 : i32
    %dma_start3A_5 = arith.constant 0 : i32
    %dma_start3A_6 = tpu.memref_slice %arg8[%dma_start3A_3, %dma_start3A_4, %dma_start3A_5] : memref<2x128x32xf32, #tpu.memory_space<vmem>> -> memref<1x128x32xf32, #tpu.memory_space<vmem>>
    %dma_start3A_7 = tpu.memref_squeeze %dma_start3A_6 : memref<1x128x32xf32, #tpu.memory_space<vmem>> -> memref<128x32xf32, #tpu.memory_space<vmem>>
    %dma_start3A_8 = arith.constant 0 : i32
    %dma_start3A_9 = tpu.memref_slice %arg7[%dma_start3A, %dma_start3A_8] : memref<50x128xi32, #tpu.memory_space<vmem>> -> memref<1x128xi32, #tpu.memory_space<vmem>>
    %dma_start3A_10 = tpu.memref_squeeze %dma_start3A_9 : memref<1x128xi32, #tpu.memory_space<vmem>> -> memref<128xi32, #tpu.memory_space<vmem>>
    %dma_start3A_11 = arith.constant 0 : i32
    %dma_start3A_12 = arith.constant 0 : i32
    %dma_start3A_13 = tpu.memref_slice %arg3[%dma_start3A_11, %dma_start3A_12] : memref<1000000x32xf32, #tpu.memory_space<hbm>> -> memref<1000000x32xf32, #tpu.memory_space<hbm>>
    tpu.enqueue_indirect_dma source(%dma_start3A_13 : memref<1000000x32xf32, #tpu.memory_space<hbm>>) target(%dma_start3A_7 : memref<128x32xf32, #tpu.memory_space<vmem>>) offsets(%dma_start3A_10 : memref<128xi32, #tpu.memory_space<vmem>>) semaphore(%arg10 : memref<!tpu.dma_semaphore, #tpu.memory_space<semaphore_mem>>)
    %dma_start3A_14 = arith.constant 0 : i32
    %dma_start3A_15 = arith.constant 0 : i32
    %dma_start3A_16 = arith.constant 0 : i32
    %dma_start3A_17 = arith.constant 0 : i32
    %dma_start3A_18 = tpu.memref_slice %arg9[%dma_start3A_15, %dma_start3A_16, %dma_start3A_17] : memref<2x128x32xf32, #tpu.memory_space<vmem>> -> memref<1x128x32xf32, #tpu.memory_space<vmem>>
    %dma_start3A_19 = tpu.memref_squeeze %dma_start3A_18 : memref<1x128x32xf32, #tpu.memory_space<vmem>> -> memref<128x32xf32, #tpu.memory_space<vmem>>
    %dma_start3A_20 = arith.constant 0 : i32
    %dma_start3A_21 = tpu.memref_slice %arg7[%dma_start3A_14, %dma_start3A_20] : memref<50x128xi32, #tpu.memory_space<vmem>> -> memref<1x128xi32, #tpu.memory_space<vmem>>
    %dma_start3A_22 = tpu.memref_squeeze %dma_start3A_21 : memref<1x128xi32, #tpu.memory_space<vmem>> -> memref<128xi32, #tpu.memory_space<vmem>>
    %dma_start3A_23 = arith.constant 0 : i32
    %dma_start3A_24 = arith.constant 0 : i32
    %dma_start3A_25 = tpu.memref_slice %arg4[%dma_start3A_23, %dma_start3A_24] : memref<1000000x32xf32, #tpu.memory_space<hbm>> -> memref<1000000x32xf32, #tpu.memory_space<hbm>>
    tpu.enqueue_indirect_dma source(%dma_start3A_25 : memref<1000000x32xf32, #tpu.memory_space<hbm>>) target(%dma_start3A_19 : memref<128x32xf32, #tpu.memory_space<vmem>>) offsets(%dma_start3A_22 : memref<128xi32, #tpu.memory_space<vmem>>) semaphore(%arg12 : memref<!tpu.dma_semaphore, #tpu.memory_space<semaphore_mem>>)
    %scan3A = arith.constant 0 : i32
    %scan3A_26 = arith.constant 0 : i32
    %scan3A_27 = arith.constant 25 : i32
    %scan3A_28 = arith.addi %scan3A_26, %scan3A_27 : i32
    %scan3A_29 = arith.constant 1 : i32
    scf.for %scan3A_31 = %scan3A_26 to %scan3A_28 step %scan3A_29  : i32 {
      %mul3A_32 = arith.constant 2 : i32
      %mul3A_33 = arith.muli %mul3A_32, %scan3A_31 : i32
      %add3A_34 = arith.constant 1 : i32
      %add3A_35 = arith.addi %mul3A_33, %add3A_34 : i32
      %dma_start3A_36 = arith.constant 1 : i32
      %dma_start3A_37 = arith.constant 0 : i32
      %dma_start3A_38 = arith.constant 0 : i32
      %dma_start3A_39 = tpu.memref_slice %arg8[%dma_start3A_36, %dma_start3A_37, %dma_start3A_38] : memref<2x128x32xf32, #tpu.memory_space<vmem>> -> memref<1x128x32xf32, #tpu.memory_space<vmem>>
      %dma_start3A_40 = tpu.memref_squeeze %dma_start3A_39 : memref<1x128x32xf32, #tpu.memory_space<vmem>> -> memref<128x32xf32, #tpu.memory_space<vmem>>
      %dma_start3A_41 = arith.constant 0 : i32
      %dma_start3A_42 = tpu.memref_slice %arg7[%add3A_35, %dma_start3A_41] : memref<50x128xi32, #tpu.memory_space<vmem>> -> memref<1x128xi32, #tpu.memory_space<vmem>>
      %dma_start3A_43 = tpu.memref_squeeze %dma_start3A_42 : memref<1x128xi32, #tpu.memory_space<vmem>> -> memref<128xi32, #tpu.memory_space<vmem>>
      %dma_start3A_44 = arith.constant 0 : i32
      %dma_start3A_45 = arith.constant 0 : i32
      %dma_start3A_46 = tpu.memref_slice %arg3[%dma_start3A_44, %dma_start3A_45] : memref<1000000x32xf32, #tpu.memory_space<hbm>> -> memref<1000000x32xf32, #tpu.memory_space<hbm>>
      tpu.enqueue_indirect_dma source(%dma_start3A_46 : memref<1000000x32xf32, #tpu.memory_space<hbm>>) target(%dma_start3A_40 : memref<128x32xf32, #tpu.memory_space<vmem>>) offsets(%dma_start3A_43 : memref<128xi32, #tpu.memory_space<vmem>>) semaphore(%arg11 : memref<!tpu.dma_semaphore, #tpu.memory_space<semaphore_mem>>)
      %dma_start3A_47 = arith.constant 1 : i32
      %dma_start3A_48 = arith.constant 0 : i32
      %dma_start3A_49 = arith.constant 0 : i32
      %dma_start3A_50 = tpu.memref_slice %arg9[%dma_start3A_47, %dma_start3A_48, %dma_start3A_49] : memref<2x128x32xf32, #tpu.memory_space<vmem>> -> memref<1x128x32xf32, #tpu.memory_space<vmem>>
      %dma_start3A_51 = tpu.memref_squeeze %dma_start3A_50 : memref<1x128x32xf32, #tpu.memory_space<vmem>> -> memref<128x32xf32, #tpu.memory_space<vmem>>
      %dma_start3A_52 = arith.constant 0 : i32
      %dma_start3A_53 = tpu.memref_slice %arg7[%add3A_35, %dma_start3A_52] : memref<50x128xi32, #tpu.memory_space<vmem>> -> memref<1x128xi32, #tpu.memory_space<vmem>>
      %dma_start3A_54 = tpu.memref_squeeze %dma_start3A_53 : memref<1x128xi32, #tpu.memory_space<vmem>> -> memref<128xi32, #tpu.memory_space<vmem>>
      %dma_start3A_55 = arith.constant 0 : i32
      %dma_start3A_56 = arith.constant 0 : i32
      %dma_start3A_57 = tpu.memref_slice %arg4[%dma_start3A_55, %dma_start3A_56] : memref<1000000x32xf32, #tpu.memory_space<hbm>> -> memref<1000000x32xf32, #tpu.memory_space<hbm>>
      tpu.enqueue_indirect_dma source(%dma_start3A_57 : memref<1000000x32xf32, #tpu.memory_space<hbm>>) target(%dma_start3A_51 : memref<128x32xf32, #tpu.memory_space<vmem>>) offsets(%dma_start3A_54 : memref<128xi32, #tpu.memory_space<vmem>>) semaphore(%arg13 : memref<!tpu.dma_semaphore, #tpu.memory_space<semaphore_mem>>)
      %dma_wait3A = arith.constant 0 : i32
      %dma_wait3A_58 = arith.constant 0 : i32
      %dma_wait3A_59 = arith.constant 0 : i32
      %dma_wait3A_60 = tpu.memref_slice %arg8[%dma_wait3A, %dma_wait3A_58, %dma_wait3A_59] : memref<2x128x32xf32, #tpu.memory_space<vmem>> -> memref<1x128x32xf32, #tpu.memory_space<vmem>>
      %dma_wait3A_61 = tpu.memref_squeeze %dma_wait3A_60 : memref<1x128x32xf32, #tpu.memory_space<vmem>> -> memref<128x32xf32, #tpu.memory_space<vmem>>
      %dma_wait3A_62 = arith.constant 0 : i32
      %dma_wait3A_63 = tpu.memref_slice %arg7[%mul3A_33, %dma_wait3A_62] : memref<50x128xi32, #tpu.memory_space<vmem>> -> memref<1x128xi32, #tpu.memory_space<vmem>>
      %dma_wait3A_64 = tpu.memref_squeeze %dma_wait3A_63 : memref<1x128xi32, #tpu.memory_space<vmem>> -> memref<128xi32, #tpu.memory_space<vmem>>
      %dma_wait3A_65 = arith.constant 0 : i32
      %dma_wait3A_66 = arith.constant 0 : i32
      %dma_wait3A_67 = tpu.memref_slice %arg3[%dma_wait3A_65, %dma_wait3A_66] : memref<1000000x32xf32, #tpu.memory_space<hbm>> -> memref<1000000x32xf32, #tpu.memory_space<hbm>>
      tpu.wait_indirect_dma semaphore(%arg10 : memref<!tpu.dma_semaphore, #tpu.memory_space<semaphore_mem>>) src(%dma_wait3A_67 : memref<1000000x32xf32, #tpu.memory_space<hbm>>) dst(%dma_wait3A_61 : memref<128x32xf32, #tpu.memory_space<vmem>>)
      %mul3A_68 = arith.constant 128 : i32
      %mul3A_69 = arith.muli %mul3A_33, %mul3A_68 : i32
      %add3A_70 = arith.addi %mul3A_2, %mul3A_69 : i32
      %run_scoped3A = arith.constant 0 : i32
      "tpu.region"() ({
        %run_scoped3A_120 = tpu.sem_alloc : memref<!tpu.dma_semaphore, #tpu.memory_space<semaphore_mem>>
        %dma_start3A_121 = arith.constant 0 : i32
        %dma_start3A_122 = arith.constant 0 : i32
        %dma_start3A_123 = tpu.memref_slice %arg8[%run_scoped3A, %dma_start3A_121, %dma_start3A_122] : memref<2x128x32xf32, #tpu.memory_space<vmem>> -> memref<1x128x32xf32, #tpu.memory_space<vmem>>
        %dma_start3A_124 = tpu.memref_squeeze %dma_start3A_123 : memref<1x128x32xf32, #tpu.memory_space<vmem>> -> memref<128x32xf32, #tpu.memory_space<vmem>>
        %dma_start3A_125 = arith.constant 0 : i32
        %dma_start3A_126 = tpu.memref_slice %arg5[%add3A_70, %dma_start3A_125] : memref<204800x32xf32, #tpu.memory_space<hbm>> -> memref<128x32xf32, #tpu.memory_space<hbm>>
        %dma_start3A_127 = arith.constant 0 : i32
        %dma_start3A_128 = tpu.memref_slice %arg5[%add3A_70, %dma_start3A_127] : memref<204800x32xf32, #tpu.memory_space<hbm>> -> memref<128x32xf32, #tpu.memory_space<hbm>>
        %dma_start3A_129 = arith.constant 0 : i32
        %dma_start3A_130 = arith.constant 0 : i32
        %dma_start3A_131 = tpu.memref_slice %arg8[%run_scoped3A, %dma_start3A_129, %dma_start3A_130] : memref<2x128x32xf32, #tpu.memory_space<vmem>> -> memref<1x128x32xf32, #tpu.memory_space<vmem>>
        %dma_start3A_132 = tpu.memref_squeeze %dma_start3A_131 : memref<1x128x32xf32, #tpu.memory_space<vmem>> -> memref<128x32xf32, #tpu.memory_space<vmem>>
        tpu.enqueue_dma source(%dma_start3A_132 : memref<128x32xf32, #tpu.memory_space<vmem>>) target(%dma_start3A_128 : memref<128x32xf32, #tpu.memory_space<hbm>>) target_semaphore(%run_scoped3A_120 : memref<!tpu.dma_semaphore, #tpu.memory_space<semaphore_mem>>)
        %dma_wait3A_133 = arith.constant 0 : i32
        %dma_wait3A_134 = arith.constant 0 : i32
        %dma_wait3A_135 = tpu.memref_slice %arg8[%run_scoped3A, %dma_wait3A_133, %dma_wait3A_134] : memref<2x128x32xf32, #tpu.memory_space<vmem>> -> memref<1x128x32xf32, #tpu.memory_space<vmem>>
        %dma_wait3A_136 = tpu.memref_squeeze %dma_wait3A_135 : memref<1x128x32xf32, #tpu.memory_space<vmem>> -> memref<128x32xf32, #tpu.memory_space<vmem>>
        %dma_wait3A_137 = arith.constant 0 : i32
        %dma_wait3A_138 = tpu.memref_slice %arg5[%add3A_70, %dma_wait3A_137] : memref<204800x32xf32, #tpu.memory_space<hbm>> -> memref<128x32xf32, #tpu.memory_space<hbm>>
        %dma_wait3A_139 = arith.constant 0 : i32
        %dma_wait3A_140 = tpu.memref_slice %arg5[%add3A_70, %dma_wait3A_139] : memref<204800x32xf32, #tpu.memory_space<hbm>> -> memref<128x32xf32, #tpu.memory_space<hbm>>
        %dma_wait3A_141 = arith.constant 0 : i32
        %dma_wait3A_142 = arith.constant 0 : i32
        %dma_wait3A_143 = tpu.memref_slice %arg8[%run_scoped3A, %dma_wait3A_141, %dma_wait3A_142] : memref<2x128x32xf32, #tpu.memory_space<vmem>> -> memref<1x128x32xf32, #tpu.memory_space<vmem>>
        %dma_wait3A_144 = tpu.memref_squeeze %dma_wait3A_143 : memref<1x128x32xf32, #tpu.memory_space<vmem>> -> memref<128x32xf32, #tpu.memory_space<vmem>>
        tpu.wait_dma2 semaphore(%run_scoped3A_120 : memref<!tpu.dma_semaphore, #tpu.memory_space<semaphore_mem>>) src(%dma_wait3A_144 : memref<128x32xf32, #tpu.memory_space<vmem>>) dst(%dma_wait3A_140 : memref<128x32xf32, #tpu.memory_space<hbm>>)
        tpu.yield
      }) : () -> ()
      %dma_wait3A_71 = arith.constant 0 : i32
      %dma_wait3A_72 = arith.constant 0 : i32
      %dma_wait3A_73 = arith.constant 0 : i32
      %dma_wait3A_74 = tpu.memref_slice %arg9[%dma_wait3A_71, %dma_wait3A_72, %dma_wait3A_73] : memref<2x128x32xf32, #tpu.memory_space<vmem>> -> memref<1x128x32xf32, #tpu.memory_space<vmem>>
      %dma_wait3A_75 = tpu.memref_squeeze %dma_wait3A_74 : memref<1x128x32xf32, #tpu.memory_space<vmem>> -> memref<128x32xf32, #tpu.memory_space<vmem>>
      %dma_wait3A_76 = arith.constant 0 : i32
      %dma_wait3A_77 = tpu.memref_slice %arg7[%mul3A_33, %dma_wait3A_76] : memref<50x128xi32, #tpu.memory_space<vmem>> -> memref<1x128xi32, #tpu.memory_space<vmem>>
      %dma_wait3A_78 = tpu.memref_squeeze %dma_wait3A_77 : memref<1x128xi32, #tpu.memory_space<vmem>> -> memref<128xi32, #tpu.memory_space<vmem>>
      %dma_wait3A_79 = arith.constant 0 : i32
      %dma_wait3A_80 = arith.constant 0 : i32
      %dma_wait3A_81 = tpu.memref_slice %arg4[%dma_wait3A_79, %dma_wait3A_80] : memref<1000000x32xf32, #tpu.memory_space<hbm>> -> memref<1000000x32xf32, #tpu.memory_space<hbm>>
      tpu.wait_indirect_dma semaphore(%arg12 : memref<!tpu.dma_semaphore, #tpu.memory_space<semaphore_mem>>) src(%dma_wait3A_81 : memref<1000000x32xf32, #tpu.memory_space<hbm>>) dst(%dma_wait3A_75 : memref<128x32xf32, #tpu.memory_space<vmem>>)
      %mul3A_82 = arith.constant 128 : i32
      %mul3A_83 = arith.muli %mul3A_33, %mul3A_82 : i32
      %add3A_84 = arith.addi %mul3A_2, %mul3A_83 : i32
      %run_scoped3A_85 = arith.constant 0 : i32
      "tpu.region"() ({
        %run_scoped3A_120 = tpu.sem_alloc : memref<!tpu.dma_semaphore, #tpu.memory_space<semaphore_mem>>
        %dma_start3A_121 = arith.constant 0 : i32
        %dma_start3A_122 = arith.constant 0 : i32
        %dma_start3A_123 = tpu.memref_slice %arg9[%run_scoped3A_85, %dma_start3A_121, %dma_start3A_122] : memref<2x128x32xf32, #tpu.memory_space<vmem>> -> memref<1x128x32xf32, #tpu.memory_space<vmem>>
        %dma_start3A_124 = tpu.memref_squeeze %dma_start3A_123 : memref<1x128x32xf32, #tpu.memory_space<vmem>> -> memref<128x32xf32, #tpu.memory_space<vmem>>
        %dma_start3A_125 = arith.constant 0 : i32
        %dma_start3A_126 = tpu.memref_slice %arg6[%add3A_84, %dma_start3A_125] : memref<204800x32xf32, #tpu.memory_space<hbm>> -> memref<128x32xf32, #tpu.memory_space<hbm>>
        %dma_start3A_127 = arith.constant 0 : i32
        %dma_start3A_128 = tpu.memref_slice %arg6[%add3A_84, %dma_start3A_127] : memref<204800x32xf32, #tpu.memory_space<hbm>> -> memref<128x32xf32, #tpu.memory_space<hbm>>
        %dma_start3A_129 = arith.constant 0 : i32
        %dma_start3A_130 = arith.constant 0 : i32
        %dma_start3A_131 = tpu.memref_slice %arg9[%run_scoped3A_85, %dma_start3A_129, %dma_start3A_130] : memref<2x128x32xf32, #tpu.memory_space<vmem>> -> memref<1x128x32xf32, #tpu.memory_space<vmem>>
        %dma_start3A_132 = tpu.memref_squeeze %dma_start3A_131 : memref<1x128x32xf32, #tpu.memory_space<vmem>> -> memref<128x32xf32, #tpu.memory_space<vmem>>
        tpu.enqueue_dma source(%dma_start3A_132 : memref<128x32xf32, #tpu.memory_space<vmem>>) target(%dma_start3A_128 : memref<128x32xf32, #tpu.memory_space<hbm>>) target_semaphore(%run_scoped3A_120 : memref<!tpu.dma_semaphore, #tpu.memory_space<semaphore_mem>>)
        %dma_wait3A_133 = arith.constant 0 : i32
        %dma_wait3A_134 = arith.constant 0 : i32
        %dma_wait3A_135 = tpu.memref_slice %arg9[%run_scoped3A_85, %dma_wait3A_133, %dma_wait3A_134] : memref<2x128x32xf32, #tpu.memory_space<vmem>> -> memref<1x128x32xf32, #tpu.memory_space<vmem>>
        %dma_wait3A_136 = tpu.memref_squeeze %dma_wait3A_135 : memref<1x128x32xf32, #tpu.memory_space<vmem>> -> memref<128x32xf32, #tpu.memory_space<vmem>>
        %dma_wait3A_137 = arith.constant 0 : i32
        %dma_wait3A_138 = tpu.memref_slice %arg6[%add3A_84, %dma_wait3A_137] : memref<204800x32xf32, #tpu.memory_space<hbm>> -> memref<128x32xf32, #tpu.memory_space<hbm>>
        %dma_wait3A_139 = arith.constant 0 : i32
        %dma_wait3A_140 = tpu.memref_slice %arg6[%add3A_84, %dma_wait3A_139] : memref<204800x32xf32, #tpu.memory_space<hbm>> -> memref<128x32xf32, #tpu.memory_space<hbm>>
        %dma_wait3A_141 = arith.constant 0 : i32
        %dma_wait3A_142 = arith.constant 0 : i32
        %dma_wait3A_143 = tpu.memref_slice %arg9[%run_scoped3A_85, %dma_wait3A_141, %dma_wait3A_142] : memref<2x128x32xf32, #tpu.memory_space<vmem>> -> memref<1x128x32xf32, #tpu.memory_space<vmem>>
        %dma_wait3A_144 = tpu.memref_squeeze %dma_wait3A_143 : memref<1x128x32xf32, #tpu.memory_space<vmem>> -> memref<128x32xf32, #tpu.memory_space<vmem>>
        tpu.wait_dma2 semaphore(%run_scoped3A_120 : memref<!tpu.dma_semaphore, #tpu.memory_space<semaphore_mem>>) src(%dma_wait3A_144 : memref<128x32xf32, #tpu.memory_space<vmem>>) dst(%dma_wait3A_140 : memref<128x32xf32, #tpu.memory_space<hbm>>)
        tpu.yield
      }) : () -> ()
      %add3A_86 = arith.constant 2 : i32
      %add3A_87 = arith.addi %mul3A_33, %add3A_86 : i32
      %lt3A = arith.constant 50 : i32
      %lt3A_88 = arith.cmpi slt, %add3A_87, %lt3A : i32
      %convert_element_type3A = arith.extui %lt3A_88 : i1 to i32
      %cond3A = arith.constant 0 : i32
      %cond3A_89 = arith.cmpi ne, %convert_element_type3A, %cond3A : i32
      scf.if %cond3A_89 {
        %add3A_120 = arith.constant 2 : i32
        %add3A_121 = arith.addi %mul3A_33, %add3A_120 : i32
        %dma_start3A_122 = arith.constant 0 : i32
        %dma_start3A_123 = arith.constant 0 : i32
        %dma_start3A_124 = arith.constant 0 : i32
        %dma_start3A_125 = tpu.memref_slice %arg8[%dma_start3A_122, %dma_start3A_123, %dma_start3A_124] : memref<2x128x32xf32, #tpu.memory_space<vmem>> -> memref<1x128x32xf32, #tpu.memory_space<vmem>>
        %dma_start3A_126 = tpu.memref_squeeze %dma_start3A_125 : memref<1x128x32xf32, #tpu.memory_space<vmem>> -> memref<128x32xf32, #tpu.memory_space<vmem>>
        %dma_start3A_127 = arith.constant 0 : i32
        %dma_start3A_128 = tpu.memref_slice %arg7[%add3A_121, %dma_start3A_127] : memref<50x128xi32, #tpu.memory_space<vmem>> -> memref<1x128xi32, #tpu.memory_space<vmem>>
        %dma_start3A_129 = tpu.memref_squeeze %dma_start3A_128 : memref<1x128xi32, #tpu.memory_space<vmem>> -> memref<128xi32, #tpu.memory_space<vmem>>
        %dma_start3A_130 = arith.constant 0 : i32
        %dma_start3A_131 = arith.constant 0 : i32
        %dma_start3A_132 = tpu.memref_slice %arg3[%dma_start3A_130, %dma_start3A_131] : memref<1000000x32xf32, #tpu.memory_space<hbm>> -> memref<1000000x32xf32, #tpu.memory_space<hbm>>
        tpu.enqueue_indirect_dma source(%dma_start3A_132 : memref<1000000x32xf32, #tpu.memory_space<hbm>>) target(%dma_start3A_126 : memref<128x32xf32, #tpu.memory_space<vmem>>) offsets(%dma_start3A_129 : memref<128xi32, #tpu.memory_space<vmem>>) semaphore(%arg10 : memref<!tpu.dma_semaphore, #tpu.memory_space<semaphore_mem>>)
        %dma_start3A_133 = arith.constant 0 : i32
        %dma_start3A_134 = arith.constant 0 : i32
        %dma_start3A_135 = arith.constant 0 : i32
        %dma_start3A_136 = tpu.memref_slice %arg9[%dma_start3A_133, %dma_start3A_134, %dma_start3A_135] : memref<2x128x32xf32, #tpu.memory_space<vmem>> -> memref<1x128x32xf32, #tpu.memory_space<vmem>>
        %dma_start3A_137 = tpu.memref_squeeze %dma_start3A_136 : memref<1x128x32xf32, #tpu.memory_space<vmem>> -> memref<128x32xf32, #tpu.memory_space<vmem>>
        %dma_start3A_138 = arith.constant 0 : i32
        %dma_start3A_139 = tpu.memref_slice %arg7[%add3A_121, %dma_start3A_138] : memref<50x128xi32, #tpu.memory_space<vmem>> -> memref<1x128xi32, #tpu.memory_space<vmem>>
        %dma_start3A_140 = tpu.memref_squeeze %dma_start3A_139 : memref<1x128xi32, #tpu.memory_space<vmem>> -> memref<128xi32, #tpu.memory_space<vmem>>
        %dma_start3A_141 = arith.constant 0 : i32
        %dma_start3A_142 = arith.constant 0 : i32
        %dma_start3A_143 = tpu.memref_slice %arg4[%dma_start3A_141, %dma_start3A_142] : memref<1000000x32xf32, #tpu.memory_space<hbm>> -> memref<1000000x32xf32, #tpu.memory_space<hbm>>
        tpu.enqueue_indirect_dma source(%dma_start3A_143 : memref<1000000x32xf32, #tpu.memory_space<hbm>>) target(%dma_start3A_137 : memref<128x32xf32, #tpu.memory_space<vmem>>) offsets(%dma_start3A_140 : memref<128xi32, #tpu.memory_space<vmem>>) semaphore(%arg12 : memref<!tpu.dma_semaphore, #tpu.memory_space<semaphore_mem>>)
      } else {
      }
      %dma_wait3A_90 = arith.constant 1 : i32
      %dma_wait3A_91 = arith.constant 0 : i32
      %dma_wait3A_92 = arith.constant 0 : i32
      %dma_wait3A_93 = tpu.memref_slice %arg8[%dma_wait3A_90, %dma_wait3A_91, %dma_wait3A_92] : memref<2x128x32xf32, #tpu.memory_space<vmem>> -> memref<1x128x32xf32, #tpu.memory_space<vmem>>
      %dma_wait3A_94 = tpu.memref_squeeze %dma_wait3A_93 : memref<1x128x32xf32, #tpu.memory_space<vmem>> -> memref<128x32xf32, #tpu.memory_space<vmem>>
      %dma_wait3A_95 = arith.constant 0 : i32
      %dma_wait3A_96 = tpu.memref_slice %arg7[%add3A_35, %dma_wait3A_95] : memref<50x128xi32, #tpu.memory_space<vmem>> -> memref<1x128xi32, #tpu.memory_space<vmem>>
      %dma_wait3A_97 = tpu.memref_squeeze %dma_wait3A_96 : memref<1x128xi32, #tpu.memory_space<vmem>> -> memref<128xi32, #tpu.memory_space<vmem>>
      %dma_wait3A_98 = arith.constant 0 : i32
      %dma_wait3A_99 = arith.constant 0 : i32
      %dma_wait3A_100 = tpu.memref_slice %arg3[%dma_wait3A_98, %dma_wait3A_99] : memref<1000000x32xf32, #tpu.memory_space<hbm>> -> memref<1000000x32xf32, #tpu.memory_space<hbm>>
      tpu.wait_indirect_dma semaphore(%arg11 : memref<!tpu.dma_semaphore, #tpu.memory_space<semaphore_mem>>) src(%dma_wait3A_100 : memref<1000000x32xf32, #tpu.memory_space<hbm>>) dst(%dma_wait3A_94 : memref<128x32xf32, #tpu.memory_space<vmem>>)
      %mul3A_101 = arith.constant 128 : i32
      %mul3A_102 = arith.muli %add3A_35, %mul3A_101 : i32
      %add3A_103 = arith.addi %mul3A_2, %mul3A_102 : i32
      %run_scoped3A_104 = arith.constant 1 : i32
      "tpu.region"() ({
        %run_scoped3A_120 = tpu.sem_alloc : memref<!tpu.dma_semaphore, #tpu.memory_space<semaphore_mem>>
        %dma_start3A_121 = arith.constant 0 : i32
        %dma_start3A_122 = arith.constant 0 : i32
        %dma_start3A_123 = tpu.memref_slice %arg8[%run_scoped3A_104, %dma_start3A_121, %dma_start3A_122] : memref<2x128x32xf32, #tpu.memory_space<vmem>> -> memref<1x128x32xf32, #tpu.memory_space<vmem>>
        %dma_start3A_124 = tpu.memref_squeeze %dma_start3A_123 : memref<1x128x32xf32, #tpu.memory_space<vmem>> -> memref<128x32xf32, #tpu.memory_space<vmem>>
        %dma_start3A_125 = arith.constant 0 : i32
        %dma_start3A_126 = tpu.memref_slice %arg5[%add3A_103, %dma_start3A_125] : memref<204800x32xf32, #tpu.memory_space<hbm>> -> memref<128x32xf32, #tpu.memory_space<hbm>>
        %dma_start3A_127 = arith.constant 0 : i32
        %dma_start3A_128 = tpu.memref_slice %arg5[%add3A_103, %dma_start3A_127] : memref<204800x32xf32, #tpu.memory_space<hbm>> -> memref<128x32xf32, #tpu.memory_space<hbm>>
        %dma_start3A_129 = arith.constant 0 : i32
        %dma_start3A_130 = arith.constant 0 : i32
        %dma_start3A_131 = tpu.memref_slice %arg8[%run_scoped3A_104, %dma_start3A_129, %dma_start3A_130] : memref<2x128x32xf32, #tpu.memory_space<vmem>> -> memref<1x128x32xf32, #tpu.memory_space<vmem>>
        %dma_start3A_132 = tpu.memref_squeeze %dma_start3A_131 : memref<1x128x32xf32, #tpu.memory_space<vmem>> -> memref<128x32xf32, #tpu.memory_space<vmem>>
        tpu.enqueue_dma source(%dma_start3A_132 : memref<128x32xf32, #tpu.memory_space<vmem>>) target(%dma_start3A_128 : memref<128x32xf32, #tpu.memory_space<hbm>>) target_semaphore(%run_scoped3A_120 : memref<!tpu.dma_semaphore, #tpu.memory_space<semaphore_mem>>)
        %dma_wait3A_133 = arith.constant 0 : i32
        %dma_wait3A_134 = arith.constant 0 : i32
        %dma_wait3A_135 = tpu.memref_slice %arg8[%run_scoped3A_104, %dma_wait3A_133, %dma_wait3A_134] : memref<2x128x32xf32, #tpu.memory_space<vmem>> -> memref<1x128x32xf32, #tpu.memory_space<vmem>>
        %dma_wait3A_136 = tpu.memref_squeeze %dma_wait3A_135 : memref<1x128x32xf32, #tpu.memory_space<vmem>> -> memref<128x32xf32, #tpu.memory_space<vmem>>
        %dma_wait3A_137 = arith.constant 0 : i32
        %dma_wait3A_138 = tpu.memref_slice %arg5[%add3A_103, %dma_wait3A_137] : memref<204800x32xf32, #tpu.memory_space<hbm>> -> memref<128x32xf32, #tpu.memory_space<hbm>>
        %dma_wait3A_139 = arith.constant 0 : i32
        %dma_wait3A_140 = tpu.memref_slice %arg5[%add3A_103, %dma_wait3A_139] : memref<204800x32xf32, #tpu.memory_space<hbm>> -> memref<128x32xf32, #tpu.memory_space<hbm>>
        %dma_wait3A_141 = arith.constant 0 : i32
        %dma_wait3A_142 = arith.constant 0 : i32
        %dma_wait3A_143 = tpu.memref_slice %arg8[%run_scoped3A_104, %dma_wait3A_141, %dma_wait3A_142] : memref<2x128x32xf32, #tpu.memory_space<vmem>> -> memref<1x128x32xf32, #tpu.memory_space<vmem>>
        %dma_wait3A_144 = tpu.memref_squeeze %dma_wait3A_143 : memref<1x128x32xf32, #tpu.memory_space<vmem>> -> memref<128x32xf32, #tpu.memory_space<vmem>>
        tpu.wait_dma2 semaphore(%run_scoped3A_120 : memref<!tpu.dma_semaphore, #tpu.memory_space<semaphore_mem>>) src(%dma_wait3A_144 : memref<128x32xf32, #tpu.memory_space<vmem>>) dst(%dma_wait3A_140 : memref<128x32xf32, #tpu.memory_space<hbm>>)
        tpu.yield
      }) : () -> ()
      %dma_wait3A_105 = arith.constant 1 : i32
      %dma_wait3A_106 = arith.constant 0 : i32
      %dma_wait3A_107 = arith.constant 0 : i32
      %dma_wait3A_108 = tpu.memref_slice %arg9[%dma_wait3A_105, %dma_wait3A_106, %dma_wait3A_107] : memref<2x128x32xf32, #tpu.memory_space<vmem>> -> memref<1x128x32xf32, #tpu.memory_space<vmem>>
      %dma_wait3A_109 = tpu.memref_squeeze %dma_wait3A_108 : memref<1x128x32xf32, #tpu.memory_space<vmem>> -> memref<128x32xf32, #tpu.memory_space<vmem>>
      %dma_wait3A_110 = arith.constant 0 : i32
      %dma_wait3A_111 = tpu.memref_slice %arg7[%add3A_35, %dma_wait3A_110] : memref<50x128xi32, #tpu.memory_space<vmem>> -> memref<1x128xi32, #tpu.memory_space<vmem>>
      %dma_wait3A_112 = tpu.memref_squeeze %dma_wait3A_111 : memref<1x128xi32, #tpu.memory_space<vmem>> -> memref<128xi32, #tpu.memory_space<vmem>>
      %dma_wait3A_113 = arith.constant 0 : i32
      %dma_wait3A_114 = arith.constant 0 : i32
      %dma_wait3A_115 = tpu.memref_slice %arg4[%dma_wait3A_113, %dma_wait3A_114] : memref<1000000x32xf32, #tpu.memory_space<hbm>> -> memref<1000000x32xf32, #tpu.memory_space<hbm>>
      tpu.wait_indirect_dma semaphore(%arg13 : memref<!tpu.dma_semaphore, #tpu.memory_space<semaphore_mem>>) src(%dma_wait3A_115 : memref<1000000x32xf32, #tpu.memory_space<hbm>>) dst(%dma_wait3A_109 : memref<128x32xf32, #tpu.memory_space<vmem>>)
      %mul3A_116 = arith.constant 128 : i32
      %mul3A_117 = arith.muli %add3A_35, %mul3A_116 : i32
      %add3A_118 = arith.addi %mul3A_2, %mul3A_117 : i32
      %run_scoped3A_119 = arith.constant 1 : i32
      "tpu.region"() ({
        %run_scoped3A_120 = tpu.sem_alloc : memref<!tpu.dma_semaphore, #tpu.memory_space<semaphore_mem>>
        %dma_start3A_121 = arith.constant 0 : i32
        %dma_start3A_122 = arith.constant 0 : i32
        %dma_start3A_123 = tpu.memref_slice %arg9[%run_scoped3A_119, %dma_start3A_121, %dma_start3A_122] : memref<2x128x32xf32, #tpu.memory_space<vmem>> -> memref<1x128x32xf32, #tpu.memory_space<vmem>>
        %dma_start3A_124 = tpu.memref_squeeze %dma_start3A_123 : memref<1x128x32xf32, #tpu.memory_space<vmem>> -> memref<128x32xf32, #tpu.memory_space<vmem>>
        %dma_start3A_125 = arith.constant 0 : i32
        %dma_start3A_126 = tpu.memref_slice %arg6[%add3A_118, %dma_start3A_125] : memref<204800x32xf32, #tpu.memory_space<hbm>> -> memref<128x32xf32, #tpu.memory_space<hbm>>
        %dma_start3A_127 = arith.constant 0 : i32
        %dma_start3A_128 = tpu.memref_slice %arg6[%add3A_118, %dma_start3A_127] : memref<204800x32xf32, #tpu.memory_space<hbm>> -> memref<128x32xf32, #tpu.memory_space<hbm>>
        %dma_start3A_129 = arith.constant 0 : i32
        %dma_start3A_130 = arith.constant 0 : i32
        %dma_start3A_131 = tpu.memref_slice %arg9[%run_scoped3A_119, %dma_start3A_129, %dma_start3A_130] : memref<2x128x32xf32, #tpu.memory_space<vmem>> -> memref<1x128x32xf32, #tpu.memory_space<vmem>>
        %dma_start3A_132 = tpu.memref_squeeze %dma_start3A_131 : memref<1x128x32xf32, #tpu.memory_space<vmem>> -> memref<128x32xf32, #tpu.memory_space<vmem>>
        tpu.enqueue_dma source(%dma_start3A_132 : memref<128x32xf32, #tpu.memory_space<vmem>>) target(%dma_start3A_128 : memref<128x32xf32, #tpu.memory_space<hbm>>) target_semaphore(%run_scoped3A_120 : memref<!tpu.dma_semaphore, #tpu.memory_space<semaphore_mem>>)
        %dma_wait3A_133 = arith.constant 0 : i32
        %dma_wait3A_134 = arith.constant 0 : i32
        %dma_wait3A_135 = tpu.memref_slice %arg9[%run_scoped3A_119, %dma_wait3A_133, %dma_wait3A_134] : memref<2x128x32xf32, #tpu.memory_space<vmem>> -> memref<1x128x32xf32, #tpu.memory_space<vmem>>
        %dma_wait3A_136 = tpu.memref_squeeze %dma_wait3A_135 : memref<1x128x32xf32, #tpu.memory_space<vmem>> -> memref<128x32xf32, #tpu.memory_space<vmem>>
        %dma_wait3A_137 = arith.constant 0 : i32
        %dma_wait3A_138 = tpu.memref_slice %arg6[%add3A_118, %dma_wait3A_137] : memref<204800x32xf32, #tpu.memory_space<hbm>> -> memref<128x32xf32, #tpu.memory_space<hbm>>
        %dma_wait3A_139 = arith.constant 0 : i32
        %dma_wait3A_140 = tpu.memref_slice %arg6[%add3A_118, %dma_wait3A_139] : memref<204800x32xf32, #tpu.memory_space<hbm>> -> memref<128x32xf32, #tpu.memory_space<hbm>>
        %dma_wait3A_141 = arith.constant 0 : i32
        %dma_wait3A_142 = arith.constant 0 : i32
        %dma_wait3A_143 = tpu.memref_slice %arg9[%run_scoped3A_119, %dma_wait3A_141, %dma_wait3A_142] : memref<2x128x32xf32, #tpu.memory_space<vmem>> -> memref<1x128x32xf32, #tpu.memory_space<vmem>>
        %dma_wait3A_144 = tpu.memref_squeeze %dma_wait3A_143 : memref<1x128x32xf32, #tpu.memory_space<vmem>> -> memref<128x32xf32, #tpu.memory_space<vmem>>
        tpu.wait_dma2 semaphore(%run_scoped3A_120 : memref<!tpu.dma_semaphore, #tpu.memory_space<semaphore_mem>>) src(%dma_wait3A_144 : memref<128x32xf32, #tpu.memory_space<vmem>>) dst(%dma_wait3A_140 : memref<128x32xf32, #tpu.memory_space<hbm>>)
        tpu.yield
      }) : () -> ()
    }
    %scan3A_30 = arith.constant 25 : i32
    return
  }
}

</mosaic_0001>

<sc_bundles>
// kernel: kernel.3.cloned.1.call-start
scs
__scs_entry_jumppad:
0x0: {  	(pc) =	sbr.rel $0x88, $3  }
0x1: {  	(tag) =	ssettag $0x0;
	lr =	simm.s32 $0x1  }
0x2: {  	[smem:$0x3F9E] =	sst lr;
	_ =	strace $0xD0000000  }
0x3: {  	_ = 	snop  }
0x4: {  	_ = 	snop  }
0x5: {  	_ = 	snop  }
0x6: {  	_ = 	snop  }
0x7: {  	_ = 	snop  }
__scs_overlays_trampoline_lowered:
0x8: {  	[smem:$0x3FAD] =	sst s0  }
0x9: {  	[smem:$0x3FAE] =	sst s1  }
0xa: {  	[smem:$0x3FAF] =	sst s2  }
0xb: {  	[smem:$0x3FB0] =	sst s3  }
0xc: {  	[smem:$0x3FB1] =	sst s4  }
0xd: {  	[smem:$0x3FB2] =	sst s5  }
0xe: {  	[smem:$0x3FB3] =	sst s6  }
0xf: {  	[smem:$0x3FB4] =	sst s7  }
0x10: {  	[smem:$0x3FB5] =	sst s8  }
0x11: {  	[smem:$0x3FB6] =	sst s9;
	s0 =	simm.s32 @!p0 $0x0  }
0x12: {  	s1 =	sld [smem:$0x3F9C];
	s0 =	simm.s32 @p0 $0x1  }
0x13: {  	[smem:$0x3FB7] =	sst s0;
	s0 =	simm.s32 @!p1 $0x0  }
0x14: {  	s2 =	sld [smem:$0x3F9B];
	s0 =	simm.s32 @p1 $0x1  }
0x15: {  	[smem:$0x3FB8] =	sst s0;
	s0 =	simm.s32 @!p2 $0x0  }
0x16: {  	s3 =	sld [smem:$0x3FDB];
	s0 =	simm.s32 @p2 $0x1  }
0x17: {  	s4 =	simm.s32 $0x1BF5;
	[smem:$0x3FBA] =	sst s0  }
0x18: {  	s0 =	sld [smem:$0x3F9D];
	_ =	swait.ge [sflag:s4], $0x0  }
0x19: {  	s7 =	sld [smem:$0x3F9E]  }
0x1a: {  	s8 =	sadd.s32 $0xFFFFE003, lr  }
0x1b: {  	s9 =	sadd.s32 $0xFFFFFEF7, lr;
	s5 =	simm.s32 $0xFFFFFFFF;
	p2 =	slt.u32 s8, $0xFFFFF086  }
0x1c: {  	p1 =	slt.u32 s9, $0xF7A;
	s5 =	simm.s32 @!p2 $0x0  }
0x1d: {  	s5 =	simm.s32 @p1 $0x1;
	p0 =	seq.s32 s7, s2  }
0x1e: {  	s7 =	smul.u32 @!p0 $0xF7A, s2;
	p2 =	seq.s32 @!p0 s5, $0x0  }
0x1f: {  	s9 =	smul.u32 $0xF7A, s1;
	s8 =	simm.s32 @!p0 $0x1BF5;
	p2 =	por !p2, p0  }
0x20: {  	[sflag:s8] =	ssyncset.s32 @!p0 $0xFFFFF086;
	s6 =	sadd.s32 @!p0 s3, s7;
	s7 =	simm.s32 @!p0 $0x108  }
0x21: {  	s3 =	sadd.s32 s3, s9;
	s6 =	sadd.s32 @!p0 $0x88, s6;
	s7 =	simm.s32 @p2 $0x1082  }
0x22: {  	[simem:s7], [sflag:s8] =	dma.local @!p0 [hbm:s6], $0xF7A  }
0x23: {  	s9 =	sor.u32 $0xD0000000, s2;
	s6 =	simm.s32 $0x108;
	_ =	swait.ge @!p0 [sflag:s8], $0x0  }
0x24: {  	s3 =	sadd.s32 $0x88, s3;
	s6 =	simm.s32 @!p1 $0x1082;
	[sflag:s4] =	ssyncset.s32 $0xFFFFF086  }
0x25: {  	[simem:s6], [sflag:s4] =	dma.local [hbm:s3], $0xF7A  }
0x26: {  	[smem:$0x3F9E] =	sst s1;
	(tag) =	ssettag s2;
	_ =	strace s9  }
0x27: {  	s1 =	sld [smem:$0x3FAE]  }
0x28: {  	s2 =	sld [smem:$0x3FAF]  }
0x29: {  	s4 =	sld [smem:$0x3FB1]  }
0x2a: {  	p0 =	seq.s32 s5, $0x0;
	s5 =	sld [smem:$0x3FB2]  }
0x2b: {  	s6 =	sld [smem:$0x3FB3]  }
0x2c: {  	s7 =	sld [smem:$0x3FB4]  }
0x2d: {  	s3 =	simm.s32 $0x108;
	s8 =	sld [smem:$0x3FB5]  }
0x2e: {  	s3 =	simm.s32 @!p0 $0x1082;
	s9 =	sld [smem:$0x3FB6]  }
0x2f: {  	lr =	sadd.s32 s0, s3;
	s0 =	sld [smem:$0x3FAD]  }
0x30: {  	s3 =	sld [smem:$0x3FB0]  }
0x31: {  	[smem:$0x3FB9] =	sst s10  }
0x32: {  	s10 =	sld [smem:$0x3FB7];
	_ =	sdelay $0x3  }
0x33: {  	p0 =	seq.s32 s10, $0x1;
	s10 =	sld [smem:$0x3FB9];
	_ =	sdelay $0x3  }
0x34: {  	[smem:$0x3FB9] =	sst s10  }
0x35: {  	s10 =	sld [smem:$0x3FB8];
	_ =	sdelay $0x3  }
0x36: {  	p1 =	seq.s32 s10, $0x1;
	s10 =	sld [smem:$0x3FB9];
	_ =	sdelay $0x3  }
0x37: {  	[smem:$0x3FB9] =	sst s10  }
0x38: {  	s10 =	sld [smem:$0x3FBA]  }
0x39: {  	_ = 	snop;
	(pc) =	sbr.ind lr, $3  }
0x3a: {  	_ = 	snop  }
0x3b: {  	_ = 	snop  }
0x3c: {  	p2 =	seq.s32 s10, $0x1;
	s10 =	sld [smem:$0x3FB9]  }
0x3d: {  	_ =	shalt  }
0x3e: {  	_ =	shalt  }
0x3f: {  	_ =	shalt  }
0x40: {  	_ =	shalt  }
0x41: {  	_ =	shalt  }
0x42: {  	_ =	shalt  }
0x43: {  	_ =	shalt  }
0x44: {  	_ =	shalt  }
0x45: {  	_ =	shalt  }
0x46: {  	_ =	shalt  }
0x47: {  	_ =	shalt  }
0x48: {  	_ =	shalt  }
0x49: {  	_ =	shalt  }
0x4a: {  	_ =	shalt  }
0x4b: {  	_ =	shalt  }
0x4c: {  	_ =	shalt  }
0x4d: {  	_ =	shalt  }
0x4e: {  	_ =	shalt  }
0x4f: {  	_ =	shalt  }
0x50: {  	_ =	shalt  }
0x51: {  	_ =	shalt  }
0x52: {  	_ =	shalt  }
0x53: {  	_ =	shalt  }
0x54: {  	_ =	shalt  }
0x55: {  	_ =	shalt  }
0x56: {  	_ =	shalt  }
0x57: {  	_ =	shalt  }
0x58: {  	_ =	shalt  }
0x59: {  	_ =	shalt  }
0x5a: {  	_ =	shalt  }
0x5b: {  	_ =	shalt  }
0x5c: {  	_ =	shalt  }
0x5d: {  	_ =	shalt  }
0x5e: {  	_ =	shalt  }
0x5f: {  	_ =	shalt  }
0x60: {  	_ =	shalt  }
0x61: {  	_ =	shalt  }
0x62: {  	_ =	shalt  }
0x63: {  	_ =	shalt  }
0x64: {  	_ =	shalt  }
0x65: {  	_ =	shalt  }
0x66: {  	_ =	shalt  }
0x67: {  	_ =	shalt  }
0x68: {  	_ =	shalt  }
0x69: {  	_ =	shalt  }
0x6a: {  	_ =	shalt  }
0x6b: {  	_ =	shalt  }
0x6c: {  	_ =	shalt  }
0x6d: {  	_ =	shalt  }
0x6e: {  	_ =	shalt  }
0x6f: {  	_ =	shalt  }
0x70: {  	_ =	shalt  }
0x71: {  	_ =	shalt  }
0x72: {  	_ =	shalt  }
0x73: {  	_ =	shalt  }
0x74: {  	_ =	shalt  }
0x75: {  	_ =	shalt  }
0x76: {  	_ =	shalt  }
0x77: {  	_ =	shalt  }
0x78: {  	_ =	shalt  }
0x79: {  	_ =	shalt  }
0x7a: {  	_ =	shalt  }
0x7b: {  	_ =	shalt  }
0x7c: {  	_ =	shalt  }
0x7d: {  	_ =	shalt  }
0x7e: {  	_ =	shalt  }
0x7f: {  	_ =	shalt  }
0x80: {  	_ =	shalt  }
0x81: {  	_ =	shalt  }
0x82: {  	_ =	shalt  }
0x83: {  	_ =	shalt  }
0x84: {  	_ =	shalt  }
0x85: {  	_ =	shalt  }
0x86: {  	_ =	shalt  }
0x87: {  	_ =	shalt  }
.Lfunc_end0:
.L_simem_size_0:
called_computation_lowered:
.L_overlay_start_0:
0x88: {  	s2 =	sld [smem:$0x3FD9]  }
0x89: {  	s3 =	sld [smem:$0x3FFE];
	_ =	sdelay $0x1  }
0x8a: {  	s1 =	srdreg.scid  }
0x8b: {  	s0 =	sand.u32 $0x1, s1  }
0x8c: {  	s17 =	sshll.u32 s0, $0xA;
	s2 =	sadd.s32 s3, s2  }
0x8d: {  	s2 =	sadd.s32 s2, s17  }
0x8e: {  	[smem:$0x3FC5] =	sst s2  }
0x8f: {  	_ = 	snop  }
0x90: {  	s2 =	sld [smem:$0x3FD0];
	(tm) =	ssettm $0x1  }
0x91: {  	s18 =	sld [smem:$0x3FFB];
	_ =	sdelay $0x3  }
0x92: {  	_ =	strace s18  }
0x93: {  	s3 =	sld [smem:$0x3FFC];
	_ =	sdelay $0x3  }
0x94: {  	_ =	strace s3  }
0x95: {  	s3 =	sld [smem:$0x3FFD];
	_ =	sdelay $0x3  }
0x96: {  	_ =	strace s3  }
0x97: {  	_ =	strace $0x8FFFFFFF  }
0x98: {  	s19 =	sld [smem:$0x3FDB];
	_ =	sdelay $0x1  }
0x99: {  	s4 =	simm.s32 $_scs_section_size  }
0x9a: {  	s5 =	simm.s32 $_size__tile_overlayer_lowered;
	s6 =	simm.s32 $_tile_overlayer_lowered  }
0x9b: {  	s22 =	simm.s32 $0x1BFF;
	s21 =	sshll.u32 s6, $0x1;
	s3 =	sadd.s32 s4, s19  }
0x9c: {  	s7 =	simm.s32 $0x0;
	s20 =	sshll.u32 s5, $0x1;
	s5 =	sadd.s32 s21, s3  }
0x9d: {  	[timem:s7], [sflag:s22] =	dma.local [hbm:s5], s20  }
0x9e: {  	_ =	swait.ge [sflag:s22], s20  }
0x9f: {  	s4 =	ssub.s32 $0x0, s20;
	[sflag:s22] =	ssyncset.done $0x0  }
0xa0: {  	[sflag:s22] =	ssyncadd.s32 s4;
	_ =	sdelay $0x1  }
0xa1: {  	s23 =	simm.s32 $0x1B8B  }
0xa2: {  	_ =	swait.ge [sflag:s23], $0x1  }
0xa3: {  	[sflag:s23] =	ssyncset.done $0x0  }
0xa4: {  	s25 =	simm.s32 $0x1B8E;
	s24 =	sld [smem:$0x3FFE];
	[sflag:s23] =	ssyncadd.s32 $0xFFFFFFFF  }
0xa5: {  	s26 =	simm.s32 $execute0_lowered;
	[smem:$0x3FD2] =	sst s25  }
0xa6: {  	s5 =	sshll.u32 s26, $0x1;
	_ =	strace $0x80000046;
	[dreg:$0x1] =	wrdreg $0xFFFFFFFF  }
0xa7: {  	s28 =	simm.s32 $_size_execute0_lowered;
	s3 =	sadd.s32 s3, s5;
	[dreg:$0x0] =	wrdreg $0x0  }
0xa8: {  	s5 =	sshll.u32 s28, $0x1;
	[dreg:$0x2] =	wrdreg s3  }
0xa9: {  	[dreg:$0x3] =	wrdreg s5  }
0xaa: {  	[dreg:$0x4] =	wrdreg $0xC0  }
0xab: {  	_ =	task [dreg:s7], $0x5FFFF  }
0xac: {  	[dreg:$0x1] =	wrdreg $0xFFFFFFFF  }
0xad: {  	[dreg:$0x0] =	wrdreg $0x60  }
0xae: {  	[dreg:$0x2] =	wrdreg s24  }
0xaf: {  	[dreg:$0x3] =	wrdreg s2  }
0xb0: {  	[dreg:$0x4] =	wrdreg $0x9  }
0xb1: {  	_ =	task.clear_ibuf [dreg:s7], $0x5FFFF;
	_ =	strace $0x90000046  }
0xb2: {  	s29 =	simm.s32 $0x9;
	_ =	strace $0x80000048  }
0xb3: {  	_ =	swait.ge [sflag:s29], $0x1  }
0xb4: {  	[sflag:s29] =	ssyncadd.s32 $0xFFFFFFFF  }
0xb5: {  	_ =	strace $0x90000048  }
0xb6: {  	_ =	sfence  }
0xb7: {  	s30 =	sld [smem:$0x0];
	_ =	sdelay $0x2  }
0xb8: {  	s31 =	sshll.u32 s1, $0xD;
	s1 =	sshrl.u32 s1, $0x2  }
0xb9: {  	s3 =	sand.u32 $0x4000, s31;
	s1 =	sadd.s32 s1, s30  }
0xba: {  	s0 =	sor.u32 s3, s0;
	s1 =	sshll.u32 s1, $0x11  }
0xbb: {  	s0 =	sor.u32 s1, s0  }
0xbc: {  	s0 =	sadd.s32 $0x8F2B, s0  }
0xbd: {  	[sflag:s0] =	ssyncadd.remote.s32 $0x1  }
0xbe: {  	_ =	sfence.sel $0xFFFF  }
0xbf: {  	[dreg:$0x0] =	wrdreg $0xFFFFFFFF;
	(pc) =	sbr.abs _section_cstart, $3  }
0xc0: {  	[dreg:$0x1] =	wrdreg $0xFFFFFFFF  }
0xc1: {  	_ =	task.clear_ibuf [dreg:s7], $0x2FFFF;
	_ =	strace $0x9FFFFFFF  }
0xc2: {  	(tm) =	ssettm $0x7FFFFFFF  }
0xc3: {  	_ =	shalt  }
tec
execute0_lowered:
.L_overlay_start_1:
0x0: {  	(tag) =	ssettag $0x1  }
0x1: {  	s1 =	srdreg.scid;
	s5 =	rddreg [dreg:$0x0]  }
0x2: {  	s0 =	stileid.u32;
	s13 =	rddreg [dreg:$0x1]  }
0x3: {  	s16 =	simm.s32 $0x80;
	s17 =	simm.s32 $0x1900;
	s18 =	simm.s32 $0x3900  }
0x4: {  	s19 =	simm.s32 $0x2900;
	s20 =	simm.s32 $0x4900;
	s21 =	simm.s32 $0x1  }
0x5: {  	s22 =	simm.s32 $0x3;
	s23 =	simm.s32 $0x2;
	s10 =	smul.u32 $0x64000, s0  }
0x6: {  	s24 =	simm.s32 $0x4;
	s1 =	sand.u32 $0x1, s1;
	s12 =	smul.u32 $0x3200, s0  }
0x7: {  	s25 =	simm.s32 $0x1880;
	s2 =	sshll.u32 s0, $0x1;
	s11 =	smul.u32 $0x32000, s1  }
0x8: {  	s4 =	sor.u32 s1, s2;
	s8 =	ssub.s32 $0x2, s1;
	s1 =	smul.u32 $0x1900, s1  }
0x9: {  	s26 =	simm.s32 $0x0;
	s2 =	simm.s32 $0x0;
	s3 =	smul.u32 $0x1900, s4  }
0xa: {  	s14 =	sadd.s32 $0x6E00, s5;
	[smem:$0x7FF] =	sst s2;
	s6 =	smul.u32 $0x32000, s4  }
0xb: {  	s9 =	smul.u32 $0x6400, s4;
	s4 =	sadd.s32 $0xF42E00, s5;
	s29 =	sshrl.u32 s8, $0x1  }
0xc: {  	_ =	strace $0x80000047;
	s8 =	ssub.s32 s8, s29;
	s10 =	sadd.s32 s11, s10  }
0xd: {  	s1 =	sadd.s32 s1, s12;
	s3 =	sshrl.u32 s3, $0x3;
	s6 =	sshrl.u32 s6, $0x3  }
0xe: {  	s30 =	sadd.s32 $0x6200, s9;
	s31 =	sshrl.u32 s10, $0x3;
	s1 =	sshll.u32 s1, $0x2  }
0xf: {  	s7 =	sadd.s32 s3, s5;
	s3 =	sadd.s32 $0x1313800, s5;
	s15 =	sadd.s32 $0x6000, s6  }
0x10: {  	s6 =	smax.u32 s8, $0x1;
	s9 =	sadd.s32 s13, s30;
	s10 =	sadd.s32 s14, s30  }
0x11: {  	s11 =	sadd.s32 s31, s14;
	s1 =	sor.u32 $0x200, s1;
	s12 =	sadd.s32 s31, s13  }
0x12: {  	s5 =	sadd.s32 $0xA00, s7;
	s7 =	sadd.s32 s13, s15;
	s8 =	sadd.s32 s14, s15  }
0x13: {  	s13 =	sadd.s32 s1, s13;
	s14 =	sadd.s32 s1, s14;
	s15 =	simm.s32 $0x5  }
.LBB2_1:
0x14: {  	[tilespmem:s2], [sflag:$0x5] =	stream.linear.gather [hbm4b:s5+s2], $0x1900, $0x38;
	[tilespmem:$0x5900] =	vst v63  }
0x15: {  	_ =	swait.ge [sflag:s15], $0x1900  }
0x16: {  	[sflag:s15] =	ssyncset.done $0x0  }
0x17: {  	[sflag:s15] =	ssyncadd.s32 $0xFFFFE700  }
0x18: {  	[tilespmem:s17], [sflag:$0x1] =	stream.indirect.gather [hbm4b:s3+s16], $0x20, s2, s16, $0xb8;
	[tilespmem:$0x5900] =	vst v63  }
0x19: {  	_ = 	snop  }
0x1a: {  	[tilespmem:s18], [sflag:$0x3] =	stream.indirect.gather [hbm4b:s4+s16], $0x20, s2, s16, $0xb8;
	[tilespmem:$0x5900] =	vst v63  }
0x1b: {  	s1 =	simm.s32 $0x80  }
0x1c: {  	[tilespmem:s19], [sflag:$0x2] =	stream.indirect.gather [hbm4b:s3+s16], $0x20, s1, s16, $0xb8;
	[tilespmem:$0x5900] =	vst v63  }
0x1d: {  	_ = 	snop  }
0x1e: {  	[tilespmem:s20], [sflag:$0x4] =	stream.indirect.gather [hbm4b:s4+s16], $0x20, s1, s16, $0xb8;
	[tilespmem:$0x5900] =	vst v63  }
0x1f: {  	_ =	swait.ge [sflag:s21], $0x1000  }
0x20: {  	[sflag:s21] =	ssyncset.done $0x0  }
0x21: {  	s31 =	sadd.s32 $0x0, s12;
	[sflag:s21] =	ssyncadd.s32 $0xFFFFF000  }
0x22: {  	[hbm4b:s31+s2] =	stream.linear.scatter [tilespmem:s17], [sflag:$0x5], $0x1000, $0x38;
	[tilespmem:$0x5900] =	vst v63  }
0x23: {  	_ =	swait.ge [sflag:s15], $0x1000  }
0x24: {  	[sflag:s15] =	ssyncset.done $0x0  }
0x25: {  	[sflag:s15] =	ssyncadd.s32 $0xFFFFF000  }
0x26: {  	_ =	swait.ge [sflag:s22], $0x1000  }
0x27: {  	[sflag:s22] =	ssyncset.done $0x0  }
0x28: {  	s0 =	sadd.s32 $0x0, s11;
	[sflag:s22] =	ssyncadd.s32 $0xFFFFF000  }
0x29: {  	[hbm4b:s0+s2] =	stream.linear.scatter [tilespmem:s18], [sflag:$0x5], $0x1000, $0x38;
	[tilespmem:$0x5900] =	vst v63  }
0x2a: {  	_ =	swait.ge [sflag:s15], $0x1000  }
0x2b: {  	[sflag:s15] =	ssyncset.done $0x0  }
0x2c: {  	s31 =	simm.s32 $0x100;
	[sflag:s15] =	ssyncadd.s32 $0xFFFFF000  }
0x2d: {  	[tilespmem:s17], [sflag:$0x1] =	stream.indirect.gather [hbm4b:s3+s16], $0x20, s31, s16, $0xb8;
	[tilespmem:$0x5900] =	vst v63  }
0x2e: {  	_ = 	snop  }
0x2f: {  	[tilespmem:s18], [sflag:$0x3] =	stream.indirect.gather [hbm4b:s4+s16], $0x20, s31, s16, $0xb8;
	[tilespmem:$0x5900] =	vst v63  }
0x30: {  	_ =	swait.ge [sflag:s23], $0x1000  }
0x31: {  	[sflag:s23] =	ssyncset.done $0x0  }
0x32: {  	s0 =	sadd.s32 $0x0, s13;
	[sflag:s23] =	ssyncadd.s32 $0xFFFFF000  }
0x33: {  	[hbm4b:s0+s2] =	stream.linear.scatter [tilespmem:s19], [sflag:$0x5], $0x1000, $0x38;
	[tilespmem:$0x5900] =	vst v63  }
0x34: {  	_ =	swait.ge [sflag:s15], $0x1000  }
0x35: {  	[sflag:s15] =	ssyncset.done $0x0  }
0x36: {  	[sflag:s15] =	ssyncadd.s32 $0xFFFFF000  }
0x37: {  	_ =	swait.ge [sflag:s24], $0x1000  }
0x38: {  	[sflag:s24] =	ssyncset.done $0x0  }
0x39: {  	s31 =	sadd.s32 $0x0, s14;
	[sflag:s24] =	ssyncadd.s32 $0xFFFFF000  }
0x3a: {  	[hbm4b:s31+s2] =	stream.linear.scatter [tilespmem:s20], [sflag:$0x5], $0x1000, $0x38;
	[tilespmem:$0x5900] =	vst v63  }
0x3b: {  	s28 =	simm.s32 $0x400;
	_ =	swait.ge [sflag:s15], $0x1000  }
0x3c: {  	s29 =	simm.s32 $0x800;
	s30 =	simm.s32 $0x100;
	[sflag:s15] =	ssyncset.done $0x0  }
.LBB2_2:
0x3d: {  	s0 =	sadd.s32 $0x80, s30  }
0x3e: {  	[sflag:s15] =	ssyncadd.s32 $0xFFFFF000;
	s31 =	smov.u32 s29;
	s1 =	sadd.s32 $0x400, s29  }
0x3f: {  	[tilespmem:s19], [sflag:$0x2] =	stream.indirect.gather [hbm4b:s3+s16], $0x20, s0, s16, $0xb8;
	[tilespmem:$0x5900] =	vst v63  }
0x40: {  	p0 =	sne.s32 s29, $0x5C00  }
0x41: {  	[tilespmem:s20], [sflag:$0x4] =	stream.indirect.gather [hbm4b:s4+s16], $0x20, s0, s16, $0xb8;
	[tilespmem:$0x5900] =	vst v63  }
0x42: {  	_ =	swait.ge [sflag:s21], $0x1000  }
0x43: {  	[sflag:s21] =	ssyncset.done $0x0  }
0x44: {  	s0 =	sadd.s32 s28, s12;
	[sflag:s21] =	ssyncadd.s32 $0xFFFFF000  }
0x45: {  	[hbm4b:s0+s2] =	stream.linear.scatter [tilespmem:s17], [sflag:$0x5], $0x1000, $0x38;
	[tilespmem:$0x5900] =	vst v63  }
0x46: {  	_ =	swait.ge [sflag:s15], $0x1000  }
0x47: {  	[sflag:s15] =	ssyncset.done $0x0  }
0x48: {  	[sflag:s15] =	ssyncadd.s32 $0xFFFFF000  }
0x49: {  	_ =	swait.ge [sflag:s22], $0x1000  }
0x4a: {  	[sflag:s22] =	ssyncset.done $0x0  }
0x4b: {  	s0 =	sadd.s32 s28, s11;
	[sflag:s22] =	ssyncadd.s32 $0xFFFFF000  }
0x4c: {  	[hbm4b:s0+s2] =	stream.linear.scatter [tilespmem:s18], [sflag:$0x5], $0x1000, $0x38;
	[tilespmem:$0x5900] =	vst v63  }
0x4d: {  	_ =	swait.ge [sflag:s15], $0x1000  }
0x4e: {  	[sflag:s15] =	ssyncset.done $0x0  }
0x4f: {  	s0 =	sadd.s32 $0x100, s30;
	[sflag:s15] =	ssyncadd.s32 $0xFFFFF000  }
0x50: {  	[tilespmem:s17], [sflag:$0x1] =	stream.indirect.gather [hbm4b:s3+s16], $0x20, s0, s16, $0xb8;
	[tilespmem:$0x5900] =	vst v63  }
0x51: {  	_ = 	snop  }
0x52: {  	[tilespmem:s18], [sflag:$0x3] =	stream.indirect.gather [hbm4b:s4+s16], $0x20, s0, s16, $0xb8;
	[tilespmem:$0x5900] =	vst v63  }
0x53: {  	_ =	swait.ge [sflag:s23], $0x1000  }
0x54: {  	[sflag:s23] =	ssyncset.done $0x0  }
0x55: {  	s0 =	sadd.s32 s28, s13;
	[sflag:s23] =	ssyncadd.s32 $0xFFFFF000  }
0x56: {  	[hbm4b:s0+s2] =	stream.linear.scatter [tilespmem:s19], [sflag:$0x5], $0x1000, $0x38;
	[tilespmem:$0x5900] =	vst v63  }
0x57: {  	_ =	swait.ge [sflag:s15], $0x1000  }
0x58: {  	[sflag:s15] =	ssyncset.done $0x0  }
0x59: {  	[sflag:s15] =	ssyncadd.s32 $0xFFFFF000  }
0x5a: {  	_ =	swait.ge [sflag:s24], $0x1000  }
.Ltmp0:
0x5b: {  	[sflag:s24] =	ssyncset.done $0x0;
	(pc) =	sbr.rel @p0 .LBB2_2-.Ltmp0, $4  }
0x5c: {  	s0 =	sadd.s32 s28, s14;
	s28 =	smov.u32 s31;
	[sflag:s24] =	ssyncadd.s32 $0xFFFFF000  }
0x5d: {  	[hbm4b:s0+s2] =	stream.linear.scatter [tilespmem:s20], [sflag:$0x5], $0x1000, $0x38;
	[tilespmem:$0x5900] =	vst v63  }
0x5e: {  	_ =	swait.ge [sflag:s15], $0x1000  }
0x5f: {  	s29 =	smov.u32 s1;
	s30 =	sshra.s32 s28, $0x2;
	[sflag:s15] =	ssyncset.done $0x0  }
0x60: {  	s0 =	sadd.s32 $0x80, s30;
	[sflag:s15] =	ssyncadd.s32 $0xFFFFF000  }
0x61: {  	[tilespmem:s19], [sflag:$0x2] =	stream.indirect.gather [hbm4b:s3+s16], $0x20, s0, s16, $0xb8;
	[tilespmem:$0x5900] =	vst v63  }
0x62: {  	_ = 	snop  }
0x63: {  	[tilespmem:s20], [sflag:$0x4] =	stream.indirect.gather [hbm4b:s4+s16], $0x20, s0, s16, $0xb8;
	[tilespmem:$0x5900] =	vst v63  }
0x64: {  	_ =	swait.ge [sflag:s21], $0x1000  }
0x65: {  	[sflag:s21] =	ssyncset.done $0x0  }
0x66: {  	s31 =	sadd.s32 s28, s12;
	[sflag:s21] =	ssyncadd.s32 $0xFFFFF000  }
0x67: {  	[hbm4b:s31+s2] =	stream.linear.scatter [tilespmem:s17], [sflag:$0x5], $0x1000, $0x38;
	[tilespmem:$0x5900] =	vst v63  }
0x68: {  	_ =	swait.ge [sflag:s15], $0x1000  }
0x69: {  	[sflag:s15] =	ssyncset.done $0x0  }
0x6a: {  	[sflag:s15] =	ssyncadd.s32 $0xFFFFF000  }
0x6b: {  	_ =	swait.ge [sflag:s22], $0x1000  }
0x6c: {  	[sflag:s22] =	ssyncset.done $0x0  }
0x6d: {  	s1 =	sadd.s32 s28, s11;
	[sflag:s22] =	ssyncadd.s32 $0xFFFFF000  }
0x6e: {  	[hbm4b:s1+s2] =	stream.linear.scatter [tilespmem:s18], [sflag:$0x5], $0x1000, $0x38;
	[tilespmem:$0x5900] =	vst v63  }
0x6f: {  	_ =	swait.ge [sflag:s15], $0x1000  }
0x70: {  	[sflag:s15] =	ssyncset.done $0x0  }
0x71: {  	s29 =	sadd.s32 $0x100, s30;
	[sflag:s15] =	ssyncadd.s32 $0xFFFFF000  }
0x72: {  	[tilespmem:s17], [sflag:$0x1] =	stream.indirect.gather [hbm4b:s3+s16], $0x20, s29, s16, $0xb8;
	[tilespmem:$0x5900] =	vst v63  }
0x73: {  	_ = 	snop  }
0x74: {  	[tilespmem:s18], [sflag:$0x3] =	stream.indirect.gather [hbm4b:s4+s16], $0x20, s29, s16, $0xb8;
	[tilespmem:$0x5900] =	vst v63  }
0x75: {  	_ =	swait.ge [sflag:s23], $0x1000  }
0x76: {  	[sflag:s23] =	ssyncset.done $0x0  }
0x77: {  	s30 =	sadd.s32 s28, s13;
	[sflag:s23] =	ssyncadd.s32 $0xFFFFF000  }
0x78: {  	[hbm4b:s30+s2] =	stream.linear.scatter [tilespmem:s19], [sflag:$0x5], $0x1000, $0x38;
	[tilespmem:$0x5900] =	vst v63  }
0x79: {  	_ =	swait.ge [sflag:s15], $0x1000  }
0x7a: {  	[sflag:s15] =	ssyncset.done $0x0  }
0x7b: {  	[sflag:s15] =	ssyncadd.s32 $0xFFFFF000  }
0x7c: {  	_ =	swait.ge [sflag:s24], $0x1000  }
0x7d: {  	[sflag:s24] =	ssyncset.done $0x0  }
0x7e: {  	s31 =	sadd.s32 s28, s14;
	[sflag:s24] =	ssyncadd.s32 $0xFFFFF000  }
0x7f: {  	[hbm4b:s31+s2] =	stream.linear.scatter [tilespmem:s20], [sflag:$0x5], $0x1000, $0x38;
	[tilespmem:$0x5900] =	vst v63  }
0x80: {  	_ =	swait.ge [sflag:s15], $0x1000  }
0x81: {  	[sflag:s15] =	ssyncset.done $0x0  }
0x82: {  	[sflag:s15] =	ssyncadd.s32 $0xFFFFF000  }
0x83: {  	[tilespmem:s19], [sflag:$0x2] =	stream.indirect.gather [hbm4b:s3+s16], $0x20, s25, s16, $0xb8;
	[tilespmem:$0x5900] =	vst v63  }
0x84: {  	_ = 	snop  }
0x85: {  	[tilespmem:s20], [sflag:$0x4] =	stream.indirect.gather [hbm4b:s4+s16], $0x20, s25, s16, $0xb8;
	[tilespmem:$0x5900] =	vst v63  }
0x86: {  	_ =	swait.ge [sflag:s21], $0x1000  }
0x87: {  	[sflag:s21] =	ssyncset.done $0x0  }
0x88: {  	[sflag:s21] =	ssyncadd.s32 $0xFFFFF000  }
0x89: {  	[hbm4b:s7+s2] =	stream.linear.scatter [tilespmem:s17], [sflag:$0x5], $0x1000, $0x38;
	[tilespmem:$0x5900] =	vst v63  }
0x8a: {  	_ =	swait.ge [sflag:s15], $0x1000  }
0x8b: {  	[sflag:s15] =	ssyncset.done $0x0  }
0x8c: {  	[sflag:s15] =	ssyncadd.s32 $0xFFFFF000  }
0x8d: {  	_ =	swait.ge [sflag:s22], $0x1000  }
0x8e: {  	[sflag:s22] =	ssyncset.done $0x0  }
0x8f: {  	[sflag:s22] =	ssyncadd.s32 $0xFFFFF000  }
0x90: {  	[hbm4b:s8+s2] =	stream.linear.scatter [tilespmem:s18], [sflag:$0x5], $0x1000, $0x38;
	[tilespmem:$0x5900] =	vst v63  }
0x91: {  	_ =	swait.ge [sflag:s15], $0x1000  }
0x92: {  	[sflag:s15] =	ssyncset.done $0x0  }
0x93: {  	[sflag:s15] =	ssyncadd.s32 $0xFFFFF000  }
0x94: {  	_ =	swait.ge [sflag:s23], $0x1000  }
0x95: {  	[sflag:s23] =	ssyncset.done $0x0  }
0x96: {  	[sflag:s23] =	ssyncadd.s32 $0xFFFFF000  }
0x97: {  	[hbm4b:s9+s2] =	stream.linear.scatter [tilespmem:s19], [sflag:$0x5], $0x1000, $0x38;
	[tilespmem:$0x5900] =	vst v63  }
0x98: {  	_ =	swait.ge [sflag:s15], $0x1000  }
0x99: {  	[sflag:s15] =	ssyncset.done $0x0  }
0x9a: {  	[sflag:s15] =	ssyncadd.s32 $0xFFFFF000  }
0x9b: {  	s26 =	sadd.s32 $0x1, s26;
	_ =	swait.ge [sflag:s24], $0x1000  }
0x9c: {  	p0 =	sne.s32 s26, s6;
	[sflag:s24] =	ssyncset.done $0x0  }
.Ltmp1:
0x9d: {  	[sflag:s24] =	ssyncadd.s32 $0xFFFFF000;
	(pc) =	sbr.rel @p0 .LBB2_1-.Ltmp1, $4  }
0x9e: {  	[hbm4b:s10+s2] =	stream.linear.scatter [tilespmem:s20], [sflag:$0x5], $0x1000, $0x38;
	[tilespmem:$0x5900] =	vst v63  }
0x9f: {  	_ =	swait.ge [sflag:s15], $0x1000  }
0xa0: {  	[sflag:s15] =	ssyncset.done $0x0  }
0xa1: {  	[sflag:s15] =	ssyncadd.s32 $0xFFFFF000  }
0xa2: {  	_ =	sfence.sel $0x180000  }
0xa3: {  	[bflag:$0x0] =	sbarrier.arrive $0xFFFF  }
0xa4: {  	_ =	strace $0x90000047  }
0xa5: {  	s0 =	stileid.u32;
	[bflag:$0x2] =	sbarrier.arrive $0xFFFF  }
0xa6: {  	p0 =	sne.s32 s0, $0x0;
	s0 =	rddreg [dreg:$0x2]  }
0xa7: {  	s0 =	sadd.s32 @!p0 $0x100000, s0  }
0xa8: {  	[sflag:s0] =	ssyncadd.tile.s32 @!p0 $0x1;
	_ =	shalt  }
.Lfunc_end2:
_tile_overlayer_lowered:
.L_overlay_start_2:
0xa9: {  	(tag) =	ssettag $0x2  }
0xaa: {  	s0 =	rddreg [dreg:$0x0];
	s2 =	stileid.u32  }
0xab: {  	s1 =	rddreg [dreg:$0x1];
	p0 =	sne.s32 s2, $0x0  }
0xac: {  	s3 =	rddreg [dreg:$0x2];
	[bflag:$0x3] =	sbarrier.arrive $0xFFFF;
	s2 =	simm.s32 @!p0 $0x1C05  }
0xad: {  	[timem:s3], [sflag:s2] =	dma.local @!p0 [hbm:s0], s1  }
0xae: {  	s0 =	simm.s32 @!p0 $0x5  }
0xaf: {  	_ =	swait.ge @!p0 [sflag:s0], s1  }
0xb0: {  	s1 =	ssub.s32 @!p0 $0x0, s1;
	[sflag:s0] =	ssyncset.done @!p0 $0x0  }
0xb1: {  	[sflag:s0] =	ssyncadd.s32 @!p0 s1  }
0xb2: {  	[bflag:$0x3] =	sbarrier.arrive $0xFFFF  }
0xb3: {  	_ =	shalt  }

</sc_bundles>
